<compile_context>
chip_gen: v7x
topology: tpu7x:2x2x1
jax: 0.10.2.dev20260603
libtpu: 0.0.44.dev20260713+nightly
codegen_flags: <defaults>
</compile_context>

<pallas_src>
import functools

import jax
import jax.numpy as jnp
from jax import lax
from jax.experimental import pallas as pl
from jax.experimental.pallas import tpu as pltpu
from jax.experimental.pallas import tpu_sc as plsc

MAX_LEN = 2048
S = 2048
D = 64
T = 2 * MAX_LEN - 1
NC, NS = 2, 16
NW = NC * NS
ROWS_PER = S // NW

_mesh = plsc.VectorSubcoreMesh(
    core_axis_name="c", subcore_axis_name="s", num_cores=NC, num_subcores=NS)


@functools.partial(
    pl.kernel,
    out_type=jax.ShapeDtypeStruct((S, S, D), jnp.float32),
    mesh=_mesh,
    scratch_types=[
        pltpu.VMEM_SHARED((T, D), jnp.float32),
        pltpu.SemaphoreType.DMA,
    ],
)
def _sc_toeplitz(table_hbm, out_hbm, table_sp, sem):
    s = lax.axis_index("s")
    c = lax.axis_index("c")

    @pl.when(s == 0)
    def _stage():
        pltpu.async_copy(table_hbm, table_sp, sem).wait()

    plsc.subcore_barrier()

    wid = s * NC + c
    base = wid * ROWS_PER

    def _desc(i):
        start = (MAX_LEN - 1) - i
        return pltpu.make_async_copy(
            table_sp.at[pl.ds(start, S)], out_hbm.at[i], sem)

    PIPE = 8
    for r in range(PIPE):
        _desc(base + r).start()

    def body(r, carry):
        _desc(base + r + PIPE).start()
        _desc(base + r).wait()
        return carry

    lax.fori_loop(0, ROWS_PER - PIPE, body, 0)
    for r in range(PIPE):
        _desc(base + ROWS_PER - PIPE + r).wait()


def kernel(seq_len, relative_positions):
    del seq_len
    return _sc_toeplitz(relative_positions)

# --- scband reference (transcript-rebuilt; emitter-appended) ---
"""Pipeline reference for scband-relative-position-encoding-65867618451870 (READ-ONLY COPY).

The authoritative reference and input builder live on the scoring server;
editing this copy changes nothing except your own understanding.
"""

import jax, jax.numpy as jnp
import numpy as np

MAX_LEN = 2048
D_MODEL = 1024
N_HEADS = 16
D_HEAD = D_MODEL // N_HEADS

def setup_inputs(seed: int = 0) -> dict:
    key = jax.random.key(seed)
    k1, _ = jax.random.split(key)
    # xavier_uniform for shape (2*max_len-1, d_head)
    fan_in, fan_out = D_HEAD, 2 * MAX_LEN - 1
    limit = float(np.sqrt(6.0 / (fan_in + fan_out)))
    relative_positions = jax.random.uniform(
        k1, (2 * MAX_LEN - 1, D_HEAD), dtype=jnp.float32,
        minval=-limit, maxval=limit)
    return {"seq_len": 2048, "relative_positions": relative_positions}

def reference(seq_len, relative_positions):
    seq_len_static = (relative_positions.shape[0] + 1) // 2
    positions = jnp.arange(seq_len_static) + (seq_len - seq_len)
    relative_indices = positions[None, :] - positions[:, None]
    relative_indices = relative_indices + MAX_LEN - 1
    relative_indices = jnp.clip(relative_indices, 0, 2 * MAX_LEN - 2)
    relative_encodings = jnp.take(relative_positions, relative_indices, axis=0)
    return relative_encodings

if __name__ == "__main__":
    import jax
    _d = setup_inputs()
    print(jax.jit(kernel)(*tuple(_d.values())))

</pallas_src>

<mosaic_0001>
#map = affine_map<(d0, d1) -> (0, 0)>
#map1 = affine_map<(d0, d1) -> (0, 0, 0)>
module attributes {stable_mosaic.version = 14 : i64} {
  func.func @_sc_toeplitz(%arg0: i32, %arg1: i32, %arg2: memref<4095x64xf32, #tpu.memory_space<hbm>>, %arg3: memref<2048x2048x64xf32, #tpu.memory_space<hbm>>, %arg4: memref<4095x64xf32, #tpu.memory_space<vmem_shared>>, %arg5: memref<!tpu.dma_semaphore, #tpu.memory_space<semaphore_mem>>) attributes {dimension_semantics = [#tpu.dimension_semantics<core_parallel>, #tpu.dimension_semantics<subcore_parallel>], iteration_bounds = array<i64: 2, 16>, scalar_prefetch = 0 : i64, scratch_operands = 2 : i64, tpu.core_type = #tpu.core_type<sc_vector_subcore>, window_params = [{transform_indices = #map}, {transform_indices = #map1}]} {
    %eq3A = arith.constant 0 : i32
    %eq3A_0 = arith.cmpi eq, %arg1, %eq3A : i32
    %convert_element_type3A = arith.extui %eq3A_0 : i1 to i32
    %cond3A = arith.constant 0 : i32
    %cond3A_1 = arith.cmpi ne, %convert_element_type3A, %cond3A : i32
    scf.if %cond3A_1 {
      tpu.enqueue_dma source(%arg2 : memref<4095x64xf32, #tpu.memory_space<hbm>>) target(%arg4 : memref<4095x64xf32, #tpu.memory_space<vmem_shared>>) target_semaphore(%arg5 : memref<!tpu.dma_semaphore, #tpu.memory_space<semaphore_mem>>)
      tpu.wait_dma2 semaphore(%arg5 : memref<!tpu.dma_semaphore, #tpu.memory_space<semaphore_mem>>) src(%arg2 : memref<4095x64xf32, #tpu.memory_space<hbm>>) dst(%arg4 : memref<4095x64xf32, #tpu.memory_space<vmem_shared>>)
    } else {
    }
    %barrier3A = arith.constant 0 : index
    tpu.barrier barrier_id(%barrier3A)
    %mul3A = arith.constant 2 : i32
    %mul3A_2 = arith.muli %arg1, %mul3A : i32
    %add3A = arith.addi %mul3A_2, %arg0 : i32
    %mul3A_3 = arith.constant 64 : i32
    %mul3A_4 = arith.muli %add3A, %mul3A_3 : i32
    %add3A_5 = arith.constant 0 : i32
    %add3A_6 = arith.addi %mul3A_4, %add3A_5 : i32
    %sub3A = arith.constant 2047 : i32
    %sub3A_7 = arith.subi %sub3A, %add3A_6 : i32
    %dma_start3A = arith.constant 0 : i32
    %dma_start3A_8 = arith.constant 0 : i32
    %dma_start3A_9 = tpu.memref_slice %arg3[%add3A_6, %dma_start3A, %dma_start3A_8] : memref<2048x2048x64xf32, #tpu.memory_space<hbm>> -> memref<1x2048x64xf32, #tpu.memory_space<hbm>>
    %dma_start3A_10 = tpu.memref_squeeze %dma_start3A_9 : memref<1x2048x64xf32, #tpu.memory_space<hbm>> -> memref<2048x64xf32, #tpu.memory_space<hbm>>
    %dma_start3A_11 = arith.constant 0 : i32
    %dma_start3A_12 = tpu.memref_slice %arg4[%sub3A_7, %dma_start3A_11] : memref<4095x64xf32, #tpu.memory_space<vmem_shared>> -> memref<2048x64xf32, #tpu.memory_space<vmem_shared>>
    tpu.enqueue_dma source(%dma_start3A_12 : memref<2048x64xf32, #tpu.memory_space<vmem_shared>>) target(%dma_start3A_10 : memref<2048x64xf32, #tpu.memory_space<hbm>>) target_semaphore(%arg5 : memref<!tpu.dma_semaphore, #tpu.memory_space<semaphore_mem>>)
    %add3A_13 = arith.constant 1 : i32
    %add3A_14 = arith.addi %mul3A_4, %add3A_13 : i32
    %sub3A_15 = arith.constant 2047 : i32
    %sub3A_16 = arith.subi %sub3A_15, %add3A_14 : i32
    %dma_start3A_17 = arith.constant 0 : i32
    %dma_start3A_18 = arith.constant 0 : i32
    %dma_start3A_19 = tpu.memref_slice %arg3[%add3A_14, %dma_start3A_17, %dma_start3A_18] : memref<2048x2048x64xf32, #tpu.memory_space<hbm>> -> memref<1x2048x64xf32, #tpu.memory_space<hbm>>
    %dma_start3A_20 = tpu.memref_squeeze %dma_start3A_19 : memref<1x2048x64xf32, #tpu.memory_space<hbm>> -> memref<2048x64xf32, #tpu.memory_space<hbm>>
    %dma_start3A_21 = arith.constant 0 : i32
    %dma_start3A_22 = tpu.memref_slice %arg4[%sub3A_16, %dma_start3A_21] : memref<4095x64xf32, #tpu.memory_space<vmem_shared>> -> memref<2048x64xf32, #tpu.memory_space<vmem_shared>>
    tpu.enqueue_dma source(%dma_start3A_22 : memref<2048x64xf32, #tpu.memory_space<vmem_shared>>) target(%dma_start3A_20 : memref<2048x64xf32, #tpu.memory_space<hbm>>) target_semaphore(%arg5 : memref<!tpu.dma_semaphore, #tpu.memory_space<semaphore_mem>>)
    %add3A_23 = arith.constant 2 : i32
    %add3A_24 = arith.addi %mul3A_4, %add3A_23 : i32
    %sub3A_25 = arith.constant 2047 : i32
    %sub3A_26 = arith.subi %sub3A_25, %add3A_24 : i32
    %dma_start3A_27 = arith.constant 0 : i32
    %dma_start3A_28 = arith.constant 0 : i32
    %dma_start3A_29 = tpu.memref_slice %arg3[%add3A_24, %dma_start3A_27, %dma_start3A_28] : memref<2048x2048x64xf32, #tpu.memory_space<hbm>> -> memref<1x2048x64xf32, #tpu.memory_space<hbm>>
    %dma_start3A_30 = tpu.memref_squeeze %dma_start3A_29 : memref<1x2048x64xf32, #tpu.memory_space<hbm>> -> memref<2048x64xf32, #tpu.memory_space<hbm>>
    %dma_start3A_31 = arith.constant 0 : i32
    %dma_start3A_32 = tpu.memref_slice %arg4[%sub3A_26, %dma_start3A_31] : memref<4095x64xf32, #tpu.memory_space<vmem_shared>> -> memref<2048x64xf32, #tpu.memory_space<vmem_shared>>
    tpu.enqueue_dma source(%dma_start3A_32 : memref<2048x64xf32, #tpu.memory_space<vmem_shared>>) target(%dma_start3A_30 : memref<2048x64xf32, #tpu.memory_space<hbm>>) target_semaphore(%arg5 : memref<!tpu.dma_semaphore, #tpu.memory_space<semaphore_mem>>)
    %add3A_33 = arith.constant 3 : i32
    %add3A_34 = arith.addi %mul3A_4, %add3A_33 : i32
    %sub3A_35 = arith.constant 2047 : i32
    %sub3A_36 = arith.subi %sub3A_35, %add3A_34 : i32
    %dma_start3A_37 = arith.constant 0 : i32
    %dma_start3A_38 = arith.constant 0 : i32
    %dma_start3A_39 = tpu.memref_slice %arg3[%add3A_34, %dma_start3A_37, %dma_start3A_38] : memref<2048x2048x64xf32, #tpu.memory_space<hbm>> -> memref<1x2048x64xf32, #tpu.memory_space<hbm>>
    %dma_start3A_40 = tpu.memref_squeeze %dma_start3A_39 : memref<1x2048x64xf32, #tpu.memory_space<hbm>> -> memref<2048x64xf32, #tpu.memory_space<hbm>>
    %dma_start3A_41 = arith.constant 0 : i32
    %dma_start3A_42 = tpu.memref_slice %arg4[%sub3A_36, %dma_start3A_41] : memref<4095x64xf32, #tpu.memory_space<vmem_shared>> -> memref<2048x64xf32, #tpu.memory_space<vmem_shared>>
    tpu.enqueue_dma source(%dma_start3A_42 : memref<2048x64xf32, #tpu.memory_space<vmem_shared>>) target(%dma_start3A_40 : memref<2048x64xf32, #tpu.memory_space<hbm>>) target_semaphore(%arg5 : memref<!tpu.dma_semaphore, #tpu.memory_space<semaphore_mem>>)
    %add3A_43 = arith.constant 4 : i32
    %add3A_44 = arith.addi %mul3A_4, %add3A_43 : i32
    %sub3A_45 = arith.constant 2047 : i32
    %sub3A_46 = arith.subi %sub3A_45, %add3A_44 : i32
    %dma_start3A_47 = arith.constant 0 : i32
    %dma_start3A_48 = arith.constant 0 : i32
    %dma_start3A_49 = tpu.memref_slice %arg3[%add3A_44, %dma_start3A_47, %dma_start3A_48] : memref<2048x2048x64xf32, #tpu.memory_space<hbm>> -> memref<1x2048x64xf32, #tpu.memory_space<hbm>>
    %dma_start3A_50 = tpu.memref_squeeze %dma_start3A_49 : memref<1x2048x64xf32, #tpu.memory_space<hbm>> -> memref<2048x64xf32, #tpu.memory_space<hbm>>
    %dma_start3A_51 = arith.constant 0 : i32
    %dma_start3A_52 = tpu.memref_slice %arg4[%sub3A_46, %dma_start3A_51] : memref<4095x64xf32, #tpu.memory_space<vmem_shared>> -> memref<2048x64xf32, #tpu.memory_space<vmem_shared>>
    tpu.enqueue_dma source(%dma_start3A_52 : memref<2048x64xf32, #tpu.memory_space<vmem_shared>>) target(%dma_start3A_50 : memref<2048x64xf32, #tpu.memory_space<hbm>>) target_semaphore(%arg5 : memref<!tpu.dma_semaphore, #tpu.memory_space<semaphore_mem>>)
    %add3A_53 = arith.constant 5 : i32
    %add3A_54 = arith.addi %mul3A_4, %add3A_53 : i32
    %sub3A_55 = arith.constant 2047 : i32
    %sub3A_56 = arith.subi %sub3A_55, %add3A_54 : i32
    %dma_start3A_57 = arith.constant 0 : i32
    %dma_start3A_58 = arith.constant 0 : i32
    %dma_start3A_59 = tpu.memref_slice %arg3[%add3A_54, %dma_start3A_57, %dma_start3A_58] : memref<2048x2048x64xf32, #tpu.memory_space<hbm>> -> memref<1x2048x64xf32, #tpu.memory_space<hbm>>
    %dma_start3A_60 = tpu.memref_squeeze %dma_start3A_59 : memref<1x2048x64xf32, #tpu.memory_space<hbm>> -> memref<2048x64xf32, #tpu.memory_space<hbm>>
    %dma_start3A_61 = arith.constant 0 : i32
    %dma_start3A_62 = tpu.memref_slice %arg4[%sub3A_56, %dma_start3A_61] : memref<4095x64xf32, #tpu.memory_space<vmem_shared>> -> memref<2048x64xf32, #tpu.memory_space<vmem_shared>>
    tpu.enqueue_dma source(%dma_start3A_62 : memref<2048x64xf32, #tpu.memory_space<vmem_shared>>) target(%dma_start3A_60 : memref<2048x64xf32, #tpu.memory_space<hbm>>) target_semaphore(%arg5 : memref<!tpu.dma_semaphore, #tpu.memory_space<semaphore_mem>>)
    %add3A_63 = arith.constant 6 : i32
    %add3A_64 = arith.addi %mul3A_4, %add3A_63 : i32
    %sub3A_65 = arith.constant 2047 : i32
    %sub3A_66 = arith.subi %sub3A_65, %add3A_64 : i32
    %dma_start3A_67 = arith.constant 0 : i32
    %dma_start3A_68 = arith.constant 0 : i32
    %dma_start3A_69 = tpu.memref_slice %arg3[%add3A_64, %dma_start3A_67, %dma_start3A_68] : memref<2048x2048x64xf32, #tpu.memory_space<hbm>> -> memref<1x2048x64xf32, #tpu.memory_space<hbm>>
    %dma_start3A_70 = tpu.memref_squeeze %dma_start3A_69 : memref<1x2048x64xf32, #tpu.memory_space<hbm>> -> memref<2048x64xf32, #tpu.memory_space<hbm>>
    %dma_start3A_71 = arith.constant 0 : i32
    %dma_start3A_72 = tpu.memref_slice %arg4[%sub3A_66, %dma_start3A_71] : memref<4095x64xf32, #tpu.memory_space<vmem_shared>> -> memref<2048x64xf32, #tpu.memory_space<vmem_shared>>
    tpu.enqueue_dma source(%dma_start3A_72 : memref<2048x64xf32, #tpu.memory_space<vmem_shared>>) target(%dma_start3A_70 : memref<2048x64xf32, #tpu.memory_space<hbm>>) target_semaphore(%arg5 : memref<!tpu.dma_semaphore, #tpu.memory_space<semaphore_mem>>)
    %add3A_73 = arith.constant 7 : i32
    %add3A_74 = arith.addi %mul3A_4, %add3A_73 : i32
    %sub3A_75 = arith.constant 2047 : i32
    %sub3A_76 = arith.subi %sub3A_75, %add3A_74 : i32
    %dma_start3A_77 = arith.constant 0 : i32
    %dma_start3A_78 = arith.constant 0 : i32
    %dma_start3A_79 = tpu.memref_slice %arg3[%add3A_74, %dma_start3A_77, %dma_start3A_78] : memref<2048x2048x64xf32, #tpu.memory_space<hbm>> -> memref<1x2048x64xf32, #tpu.memory_space<hbm>>
    %dma_start3A_80 = tpu.memref_squeeze %dma_start3A_79 : memref<1x2048x64xf32, #tpu.memory_space<hbm>> -> memref<2048x64xf32, #tpu.memory_space<hbm>>
    %dma_start3A_81 = arith.constant 0 : i32
    %dma_start3A_82 = tpu.memref_slice %arg4[%sub3A_76, %dma_start3A_81] : memref<4095x64xf32, #tpu.memory_space<vmem_shared>> -> memref<2048x64xf32, #tpu.memory_space<vmem_shared>>
    tpu.enqueue_dma source(%dma_start3A_82 : memref<2048x64xf32, #tpu.memory_space<vmem_shared>>) target(%dma_start3A_80 : memref<2048x64xf32, #tpu.memory_space<hbm>>) target_semaphore(%arg5 : memref<!tpu.dma_semaphore, #tpu.memory_space<semaphore_mem>>)
    %scan3A = arith.constant 0 : i32
    %scan3A_83 = arith.constant 0 : i32
    %scan3A_84 = arith.constant 56 : i32
    %scan3A_85 = arith.addi %scan3A_83, %scan3A_84 : i32
    %scan3A_86 = arith.constant 1 : i32
    scf.for %scan3A_199 = %scan3A_83 to %scan3A_85 step %scan3A_86  : i32 {
      %add3A_200 = arith.addi %mul3A_4, %scan3A_199 : i32
      %add3A_201 = arith.constant 8 : i32
      %add3A_202 = arith.addi %add3A_200, %add3A_201 : i32
      %sub3A_203 = arith.constant 2047 : i32
      %sub3A_204 = arith.subi %sub3A_203, %add3A_202 : i32
      %dma_start3A_205 = arith.constant 0 : i32
      %dma_start3A_206 = arith.constant 0 : i32
      %dma_start3A_207 = tpu.memref_slice %arg3[%add3A_202, %dma_start3A_205, %dma_start3A_206] : memref<2048x2048x64xf32, #tpu.memory_space<hbm>> -> memref<1x2048x64xf32, #tpu.memory_space<hbm>>
      %dma_start3A_208 = tpu.memref_squeeze %dma_start3A_207 : memref<1x2048x64xf32, #tpu.memory_space<hbm>> -> memref<2048x64xf32, #tpu.memory_space<hbm>>
      %dma_start3A_209 = arith.constant 0 : i32
      %dma_start3A_210 = tpu.memref_slice %arg4[%sub3A_204, %dma_start3A_209] : memref<4095x64xf32, #tpu.memory_space<vmem_shared>> -> memref<2048x64xf32, #tpu.memory_space<vmem_shared>>
      tpu.enqueue_dma source(%dma_start3A_210 : memref<2048x64xf32, #tpu.memory_space<vmem_shared>>) target(%dma_start3A_208 : memref<2048x64xf32, #tpu.memory_space<hbm>>) target_semaphore(%arg5 : memref<!tpu.dma_semaphore, #tpu.memory_space<semaphore_mem>>)
      %add3A_211 = arith.addi %mul3A_4, %scan3A_199 : i32
      %sub3A_212 = arith.constant 2047 : i32
      %sub3A_213 = arith.subi %sub3A_212, %add3A_211 : i32
      %dma_wait3A_214 = arith.constant 0 : i32
      %dma_wait3A_215 = arith.constant 0 : i32
      %dma_wait3A_216 = tpu.memref_slice %arg3[%add3A_211, %dma_wait3A_214, %dma_wait3A_215] : memref<2048x2048x64xf32, #tpu.memory_space<hbm>> -> memref<1x2048x64xf32, #tpu.memory_space<hbm>>
      %dma_wait3A_217 = tpu.memref_squeeze %dma_wait3A_216 : memref<1x2048x64xf32, #tpu.memory_space<hbm>> -> memref<2048x64xf32, #tpu.memory_space<hbm>>
      %dma_wait3A_218 = arith.constant 0 : i32
      %dma_wait3A_219 = tpu.memref_slice %arg4[%sub3A_213, %dma_wait3A_218] : memref<4095x64xf32, #tpu.memory_space<vmem_shared>> -> memref<2048x64xf32, #tpu.memory_space<vmem_shared>>
      tpu.wait_dma2 semaphore(%arg5 : memref<!tpu.dma_semaphore, #tpu.memory_space<semaphore_mem>>) src(%dma_wait3A_219 : memref<2048x64xf32, #tpu.memory_space<vmem_shared>>) dst(%dma_wait3A_217 : memref<2048x64xf32, #tpu.memory_space<hbm>>)
    }
    %scan3A_87 = arith.constant 56 : i32
    %add3A_88 = arith.constant 64 : i32
    %add3A_89 = arith.addi %mul3A_4, %add3A_88 : i32
    %sub3A_90 = arith.constant 8 : i32
    %sub3A_91 = arith.subi %add3A_89, %sub3A_90 : i32
    %add3A_92 = arith.constant 0 : i32
    %add3A_93 = arith.addi %sub3A_91, %add3A_92 : i32
    %sub3A_94 = arith.constant 2047 : i32
    %sub3A_95 = arith.subi %sub3A_94, %add3A_93 : i32
    %dma_wait3A = arith.constant 0 : i32
    %dma_wait3A_96 = arith.constant 0 : i32
    %dma_wait3A_97 = tpu.memref_slice %arg3[%add3A_93, %dma_wait3A, %dma_wait3A_96] : memref<2048x2048x64xf32, #tpu.memory_space<hbm>> -> memref<1x2048x64xf32, #tpu.memory_space<hbm>>
    %dma_wait3A_98 = tpu.memref_squeeze %dma_wait3A_97 : memref<1x2048x64xf32, #tpu.memory_space<hbm>> -> memref<2048x64xf32, #tpu.memory_space<hbm>>
    %dma_wait3A_99 = arith.constant 0 : i32
    %dma_wait3A_100 = tpu.memref_slice %arg4[%sub3A_95, %dma_wait3A_99] : memref<4095x64xf32, #tpu.memory_space<vmem_shared>> -> memref<2048x64xf32, #tpu.memory_space<vmem_shared>>
    tpu.wait_dma2 semaphore(%arg5 : memref<!tpu.dma_semaphore, #tpu.memory_space<semaphore_mem>>) src(%dma_wait3A_100 : memref<2048x64xf32, #tpu.memory_space<vmem_shared>>) dst(%dma_wait3A_98 : memref<2048x64xf32, #tpu.memory_space<hbm>>)
    %add3A_101 = arith.constant 64 : i32
    %add3A_102 = arith.addi %mul3A_4, %add3A_101 : i32
    %sub3A_103 = arith.constant 8 : i32
    %sub3A_104 = arith.subi %add3A_102, %sub3A_103 : i32
    %add3A_105 = arith.constant 1 : i32
    %add3A_106 = arith.addi %sub3A_104, %add3A_105 : i32
    %sub3A_107 = arith.constant 2047 : i32
    %sub3A_108 = arith.subi %sub3A_107, %add3A_106 : i32
    %dma_wait3A_109 = arith.constant 0 : i32
    %dma_wait3A_110 = arith.constant 0 : i32
    %dma_wait3A_111 = tpu.memref_slice %arg3[%add3A_106, %dma_wait3A_109, %dma_wait3A_110] : memref<2048x2048x64xf32, #tpu.memory_space<hbm>> -> memref<1x2048x64xf32, #tpu.memory_space<hbm>>
    %dma_wait3A_112 = tpu.memref_squeeze %dma_wait3A_111 : memref<1x2048x64xf32, #tpu.memory_space<hbm>> -> memref<2048x64xf32, #tpu.memory_space<hbm>>
    %dma_wait3A_113 = arith.constant 0 : i32
    %dma_wait3A_114 = tpu.memref_slice %arg4[%sub3A_108, %dma_wait3A_113] : memref<4095x64xf32, #tpu.memory_space<vmem_shared>> -> memref<2048x64xf32, #tpu.memory_space<vmem_shared>>
    tpu.wait_dma2 semaphore(%arg5 : memref<!tpu.dma_semaphore, #tpu.memory_space<semaphore_mem>>) src(%dma_wait3A_114 : memref<2048x64xf32, #tpu.memory_space<vmem_shared>>) dst(%dma_wait3A_112 : memref<2048x64xf32, #tpu.memory_space<hbm>>)
    %add3A_115 = arith.constant 64 : i32
    %add3A_116 = arith.addi %mul3A_4, %add3A_115 : i32
    %sub3A_117 = arith.constant 8 : i32
    %sub3A_118 = arith.subi %add3A_116, %sub3A_117 : i32
    %add3A_119 = arith.constant 2 : i32
    %add3A_120 = arith.addi %sub3A_118, %add3A_119 : i32
    %sub3A_121 = arith.constant 2047 : i32
    %sub3A_122 = arith.subi %sub3A_121, %add3A_120 : i32
    %dma_wait3A_123 = arith.constant 0 : i32
    %dma_wait3A_124 = arith.constant 0 : i32
    %dma_wait3A_125 = tpu.memref_slice %arg3[%add3A_120, %dma_wait3A_123, %dma_wait3A_124] : memref<2048x2048x64xf32, #tpu.memory_space<hbm>> -> memref<1x2048x64xf32, #tpu.memory_space<hbm>>
    %dma_wait3A_126 = tpu.memref_squeeze %dma_wait3A_125 : memref<1x2048x64xf32, #tpu.memory_space<hbm>> -> memref<2048x64xf32, #tpu.memory_space<hbm>>
    %dma_wait3A_127 = arith.constant 0 : i32
    %dma_wait3A_128 = tpu.memref_slice %arg4[%sub3A_122, %dma_wait3A_127] : memref<4095x64xf32, #tpu.memory_space<vmem_shared>> -> memref<2048x64xf32, #tpu.memory_space<vmem_shared>>
    tpu.wait_dma2 semaphore(%arg5 : memref<!tpu.dma_semaphore, #tpu.memory_space<semaphore_mem>>) src(%dma_wait3A_128 : memref<2048x64xf32, #tpu.memory_space<vmem_shared>>) dst(%dma_wait3A_126 : memref<2048x64xf32, #tpu.memory_space<hbm>>)
    %add3A_129 = arith.constant 64 : i32
    %add3A_130 = arith.addi %mul3A_4, %add3A_129 : i32
    %sub3A_131 = arith.constant 8 : i32
    %sub3A_132 = arith.subi %add3A_130, %sub3A_131 : i32
    %add3A_133 = arith.constant 3 : i32
    %add3A_134 = arith.addi %sub3A_132, %add3A_133 : i32
    %sub3A_135 = arith.constant 2047 : i32
    %sub3A_136 = arith.subi %sub3A_135, %add3A_134 : i32
    %dma_wait3A_137 = arith.constant 0 : i32
    %dma_wait3A_138 = arith.constant 0 : i32
    %dma_wait3A_139 = tpu.memref_slice %arg3[%add3A_134, %dma_wait3A_137, %dma_wait3A_138] : memref<2048x2048x64xf32, #tpu.memory_space<hbm>> -> memref<1x2048x64xf32, #tpu.memory_space<hbm>>
    %dma_wait3A_140 = tpu.memref_squeeze %dma_wait3A_139 : memref<1x2048x64xf32, #tpu.memory_space<hbm>> -> memref<2048x64xf32, #tpu.memory_space<hbm>>
    %dma_wait3A_141 = arith.constant 0 : i32
    %dma_wait3A_142 = tpu.memref_slice %arg4[%sub3A_136, %dma_wait3A_141] : memref<4095x64xf32, #tpu.memory_space<vmem_shared>> -> memref<2048x64xf32, #tpu.memory_space<vmem_shared>>
    tpu.wait_dma2 semaphore(%arg5 : memref<!tpu.dma_semaphore, #tpu.memory_space<semaphore_mem>>) src(%dma_wait3A_142 : memref<2048x64xf32, #tpu.memory_space<vmem_shared>>) dst(%dma_wait3A_140 : memref<2048x64xf32, #tpu.memory_space<hbm>>)
    %add3A_143 = arith.constant 64 : i32
    %add3A_144 = arith.addi %mul3A_4, %add3A_143 : i32
    %sub3A_145 = arith.constant 8 : i32
    %sub3A_146 = arith.subi %add3A_144, %sub3A_145 : i32
    %add3A_147 = arith.constant 4 : i32
    %add3A_148 = arith.addi %sub3A_146, %add3A_147 : i32
    %sub3A_149 = arith.constant 2047 : i32
    %sub3A_150 = arith.subi %sub3A_149, %add3A_148 : i32
    %dma_wait3A_151 = arith.constant 0 : i32
    %dma_wait3A_152 = arith.constant 0 : i32
    %dma_wait3A_153 = tpu.memref_slice %arg3[%add3A_148, %dma_wait3A_151, %dma_wait3A_152] : memref<2048x2048x64xf32, #tpu.memory_space<hbm>> -> memref<1x2048x64xf32, #tpu.memory_space<hbm>>
    %dma_wait3A_154 = tpu.memref_squeeze %dma_wait3A_153 : memref<1x2048x64xf32, #tpu.memory_space<hbm>> -> memref<2048x64xf32, #tpu.memory_space<hbm>>
    %dma_wait3A_155 = arith.constant 0 : i32
    %dma_wait3A_156 = tpu.memref_slice %arg4[%sub3A_150, %dma_wait3A_155] : memref<4095x64xf32, #tpu.memory_space<vmem_shared>> -> memref<2048x64xf32, #tpu.memory_space<vmem_shared>>
    tpu.wait_dma2 semaphore(%arg5 : memref<!tpu.dma_semaphore, #tpu.memory_space<semaphore_mem>>) src(%dma_wait3A_156 : memref<2048x64xf32, #tpu.memory_space<vmem_shared>>) dst(%dma_wait3A_154 : memref<2048x64xf32, #tpu.memory_space<hbm>>)
    %add3A_157 = arith.constant 64 : i32
    %add3A_158 = arith.addi %mul3A_4, %add3A_157 : i32
    %sub3A_159 = arith.constant 8 : i32
    %sub3A_160 = arith.subi %add3A_158, %sub3A_159 : i32
    %add3A_161 = arith.constant 5 : i32
    %add3A_162 = arith.addi %sub3A_160, %add3A_161 : i32
    %sub3A_163 = arith.constant 2047 : i32
    %sub3A_164 = arith.subi %sub3A_163, %add3A_162 : i32
    %dma_wait3A_165 = arith.constant 0 : i32
    %dma_wait3A_166 = arith.constant 0 : i32
    %dma_wait3A_167 = tpu.memref_slice %arg3[%add3A_162, %dma_wait3A_165, %dma_wait3A_166] : memref<2048x2048x64xf32, #tpu.memory_space<hbm>> -> memref<1x2048x64xf32, #tpu.memory_space<hbm>>
    %dma_wait3A_168 = tpu.memref_squeeze %dma_wait3A_167 : memref<1x2048x64xf32, #tpu.memory_space<hbm>> -> memref<2048x64xf32, #tpu.memory_space<hbm>>
    %dma_wait3A_169 = arith.constant 0 : i32
    %dma_wait3A_170 = tpu.memref_slice %arg4[%sub3A_164, %dma_wait3A_169] : memref<4095x64xf32, #tpu.memory_space<vmem_shared>> -> memref<2048x64xf32, #tpu.memory_space<vmem_shared>>
    tpu.wait_dma2 semaphore(%arg5 : memref<!tpu.dma_semaphore, #tpu.memory_space<semaphore_mem>>) src(%dma_wait3A_170 : memref<2048x64xf32, #tpu.memory_space<vmem_shared>>) dst(%dma_wait3A_168 : memref<2048x64xf32, #tpu.memory_space<hbm>>)
    %add3A_171 = arith.constant 64 : i32
    %add3A_172 = arith.addi %mul3A_4, %add3A_171 : i32
    %sub3A_173 = arith.constant 8 : i32
    %sub3A_174 = arith.subi %add3A_172, %sub3A_173 : i32
    %add3A_175 = arith.constant 6 : i32
    %add3A_176 = arith.addi %sub3A_174, %add3A_175 : i32
    %sub3A_177 = arith.constant 2047 : i32
    %sub3A_178 = arith.subi %sub3A_177, %add3A_176 : i32
    %dma_wait3A_179 = arith.constant 0 : i32
    %dma_wait3A_180 = arith.constant 0 : i32
    %dma_wait3A_181 = tpu.memref_slice %arg3[%add3A_176, %dma_wait3A_179, %dma_wait3A_180] : memref<2048x2048x64xf32, #tpu.memory_space<hbm>> -> memref<1x2048x64xf32, #tpu.memory_space<hbm>>
    %dma_wait3A_182 = tpu.memref_squeeze %dma_wait3A_181 : memref<1x2048x64xf32, #tpu.memory_space<hbm>> -> memref<2048x64xf32, #tpu.memory_space<hbm>>
    %dma_wait3A_183 = arith.constant 0 : i32
    %dma_wait3A_184 = tpu.memref_slice %arg4[%sub3A_178, %dma_wait3A_183] : memref<4095x64xf32, #tpu.memory_space<vmem_shared>> -> memref<2048x64xf32, #tpu.memory_space<vmem_shared>>
    tpu.wait_dma2 semaphore(%arg5 : memref<!tpu.dma_semaphore, #tpu.memory_space<semaphore_mem>>) src(%dma_wait3A_184 : memref<2048x64xf32, #tpu.memory_space<vmem_shared>>) dst(%dma_wait3A_182 : memref<2048x64xf32, #tpu.memory_space<hbm>>)
    %add3A_185 = arith.constant 64 : i32
    %add3A_186 = arith.addi %mul3A_4, %add3A_185 : i32
    %sub3A_187 = arith.constant 8 : i32
    %sub3A_188 = arith.subi %add3A_186, %sub3A_187 : i32
    %add3A_189 = arith.constant 7 : i32
    %add3A_190 = arith.addi %sub3A_188, %add3A_189 : i32
    %sub3A_191 = arith.constant 2047 : i32
    %sub3A_192 = arith.subi %sub3A_191, %add3A_190 : i32
    %dma_wait3A_193 = arith.constant 0 : i32
    %dma_wait3A_194 = arith.constant 0 : i32
    %dma_wait3A_195 = tpu.memref_slice %arg3[%add3A_190, %dma_wait3A_193, %dma_wait3A_194] : memref<2048x2048x64xf32, #tpu.memory_space<hbm>> -> memref<1x2048x64xf32, #tpu.memory_space<hbm>>
    %dma_wait3A_196 = tpu.memref_squeeze %dma_wait3A_195 : memref<1x2048x64xf32, #tpu.memory_space<hbm>> -> memref<2048x64xf32, #tpu.memory_space<hbm>>
    %dma_wait3A_197 = arith.constant 0 : i32
    %dma_wait3A_198 = tpu.memref_slice %arg4[%sub3A_192, %dma_wait3A_197] : memref<4095x64xf32, #tpu.memory_space<vmem_shared>> -> memref<2048x64xf32, #tpu.memory_space<vmem_shared>>
    tpu.wait_dma2 semaphore(%arg5 : memref<!tpu.dma_semaphore, #tpu.memory_space<semaphore_mem>>) src(%dma_wait3A_198 : memref<2048x64xf32, #tpu.memory_space<vmem_shared>>) dst(%dma_wait3A_196 : memref<2048x64xf32, #tpu.memory_space<hbm>>)
    return
  }
}

</mosaic_0001>

<sc_bundles>
// kernel: kernel.3.cloned.1.call-start
scs
__scs_entry_jumppad:
0x0: {  	(pc) =	sbr.rel $0x88, $3  }
0x1: {  	(tag) =	ssettag $0x0;
	lr =	simm.s32 $0x1  }
0x2: {  	[smem:$0x3FA0] =	sst lr;
	_ =	strace $0xD0000000  }
0x3: {  	_ = 	snop  }
0x4: {  	_ = 	snop  }
0x5: {  	_ = 	snop  }
0x6: {  	_ = 	snop  }
0x7: {  	_ = 	snop  }
__scs_overlays_trampoline_lowered:
0x8: {  	[smem:$0x3FAF] =	sst s0  }
0x9: {  	[smem:$0x3FB0] =	sst s1  }
0xa: {  	[smem:$0x3FB1] =	sst s2  }
0xb: {  	[smem:$0x3FB2] =	sst s3  }
0xc: {  	[smem:$0x3FB3] =	sst s4  }
0xd: {  	[smem:$0x3FB4] =	sst s5  }
0xe: {  	[smem:$0x3FB5] =	sst s6  }
0xf: {  	[smem:$0x3FB6] =	sst s7  }
0x10: {  	[smem:$0x3FB7] =	sst s8  }
0x11: {  	[smem:$0x3FB8] =	sst s9;
	s0 =	simm.s32 @!p0 $0x0  }
0x12: {  	s1 =	sld [smem:$0x3F9E];
	s0 =	simm.s32 @p0 $0x1  }
0x13: {  	[smem:$0x3FB9] =	sst s0;
	s0 =	simm.s32 @!p1 $0x0  }
0x14: {  	s2 =	sld [smem:$0x3F9D];
	s0 =	simm.s32 @p1 $0x1  }
0x15: {  	[smem:$0x3FBA] =	sst s0;
	s0 =	simm.s32 @!p2 $0x0  }
0x16: {  	s3 =	sld [smem:$0x3FDB];
	s0 =	simm.s32 @p2 $0x1  }
0x17: {  	s4 =	simm.s32 $0x1BF5;
	[smem:$0x3FBC] =	sst s0  }
0x18: {  	s0 =	sld [smem:$0x3F9F];
	_ =	swait.ge [sflag:s4], $0x0  }
0x19: {  	s7 =	sld [smem:$0x3FA0]  }
0x1a: {  	s8 =	sadd.s32 $0xFFFFE003, lr  }
0x1b: {  	s9 =	sadd.s32 $0xFFFFFEF7, lr;
	s5 =	simm.s32 $0xFFFFFFFF;
	p2 =	slt.u32 s8, $0xFFFFF086  }
0x1c: {  	p1 =	slt.u32 s9, $0xF7A;
	s5 =	simm.s32 @!p2 $0x0  }
0x1d: {  	s5 =	simm.s32 @p1 $0x1;
	p0 =	seq.s32 s7, s2  }
0x1e: {  	s7 =	smul.u32 @!p0 $0xF7A, s2;
	p2 =	seq.s32 @!p0 s5, $0x0  }
0x1f: {  	s9 =	smul.u32 $0xF7A, s1;
	s8 =	simm.s32 @!p0 $0x1BF5;
	p2 =	por !p2, p0  }
0x20: {  	[sflag:s8] =	ssyncset.s32 @!p0 $0xFFFFF086;
	s6 =	sadd.s32 @!p0 s3, s7;
	s7 =	simm.s32 @!p0 $0x108  }
0x21: {  	s3 =	sadd.s32 s3, s9;
	s6 =	sadd.s32 @!p0 $0x88, s6;
	s7 =	simm.s32 @p2 $0x1082  }
0x22: {  	[simem:s7], [sflag:s8] =	dma.local @!p0 [hbm:s6], $0xF7A  }
0x23: {  	s9 =	sor.u32 $0xD0000000, s2;
	s6 =	simm.s32 $0x108;
	_ =	swait.ge @!p0 [sflag:s8], $0x0  }
0x24: {  	s3 =	sadd.s32 $0x88, s3;
	s6 =	simm.s32 @!p1 $0x1082;
	[sflag:s4] =	ssyncset.s32 $0xFFFFF086  }
0x25: {  	[simem:s6], [sflag:s4] =	dma.local [hbm:s3], $0xF7A  }
0x26: {  	[smem:$0x3FA0] =	sst s1;
	(tag) =	ssettag s2;
	_ =	strace s9  }
0x27: {  	s1 =	sld [smem:$0x3FB0]  }
0x28: {  	s2 =	sld [smem:$0x3FB1]  }
0x29: {  	s4 =	sld [smem:$0x3FB3]  }
0x2a: {  	p0 =	seq.s32 s5, $0x0;
	s5 =	sld [smem:$0x3FB4]  }
0x2b: {  	s6 =	sld [smem:$0x3FB5]  }
0x2c: {  	s7 =	sld [smem:$0x3FB6]  }
0x2d: {  	s3 =	simm.s32 $0x108;
	s8 =	sld [smem:$0x3FB7]  }
0x2e: {  	s3 =	simm.s32 @!p0 $0x1082;
	s9 =	sld [smem:$0x3FB8]  }
0x2f: {  	lr =	sadd.s32 s0, s3;
	s0 =	sld [smem:$0x3FAF]  }
0x30: {  	s3 =	sld [smem:$0x3FB2]  }
0x31: {  	[smem:$0x3FBB] =	sst s10  }
0x32: {  	s10 =	sld [smem:$0x3FB9];
	_ =	sdelay $0x3  }
0x33: {  	p0 =	seq.s32 s10, $0x1;
	s10 =	sld [smem:$0x3FBB];
	_ =	sdelay $0x3  }
0x34: {  	[smem:$0x3FBB] =	sst s10  }
0x35: {  	s10 =	sld [smem:$0x3FBA];
	_ =	sdelay $0x3  }
0x36: {  	p1 =	seq.s32 s10, $0x1;
	s10 =	sld [smem:$0x3FBB];
	_ =	sdelay $0x3  }
0x37: {  	[smem:$0x3FBB] =	sst s10  }
0x38: {  	s10 =	sld [smem:$0x3FBC]  }
0x39: {  	_ = 	snop;
	(pc) =	sbr.ind lr, $3  }
0x3a: {  	_ = 	snop  }
0x3b: {  	_ = 	snop  }
0x3c: {  	p2 =	seq.s32 s10, $0x1;
	s10 =	sld [smem:$0x3FBB]  }
0x3d: {  	_ =	shalt  }
0x3e: {  	_ =	shalt  }
0x3f: {  	_ =	shalt  }
0x40: {  	_ =	shalt  }
0x41: {  	_ =	shalt  }
0x42: {  	_ =	shalt  }
0x43: {  	_ =	shalt  }
0x44: {  	_ =	shalt  }
0x45: {  	_ =	shalt  }
0x46: {  	_ =	shalt  }
0x47: {  	_ =	shalt  }
0x48: {  	_ =	shalt  }
0x49: {  	_ =	shalt  }
0x4a: {  	_ =	shalt  }
0x4b: {  	_ =	shalt  }
0x4c: {  	_ =	shalt  }
0x4d: {  	_ =	shalt  }
0x4e: {  	_ =	shalt  }
0x4f: {  	_ =	shalt  }
0x50: {  	_ =	shalt  }
0x51: {  	_ =	shalt  }
0x52: {  	_ =	shalt  }
0x53: {  	_ =	shalt  }
0x54: {  	_ =	shalt  }
0x55: {  	_ =	shalt  }
0x56: {  	_ =	shalt  }
0x57: {  	_ =	shalt  }
0x58: {  	_ =	shalt  }
0x59: {  	_ =	shalt  }
0x5a: {  	_ =	shalt  }
0x5b: {  	_ =	shalt  }
0x5c: {  	_ =	shalt  }
0x5d: {  	_ =	shalt  }
0x5e: {  	_ =	shalt  }
0x5f: {  	_ =	shalt  }
0x60: {  	_ =	shalt  }
0x61: {  	_ =	shalt  }
0x62: {  	_ =	shalt  }
0x63: {  	_ =	shalt  }
0x64: {  	_ =	shalt  }
0x65: {  	_ =	shalt  }
0x66: {  	_ =	shalt  }
0x67: {  	_ =	shalt  }
0x68: {  	_ =	shalt  }
0x69: {  	_ =	shalt  }
0x6a: {  	_ =	shalt  }
0x6b: {  	_ =	shalt  }
0x6c: {  	_ =	shalt  }
0x6d: {  	_ =	shalt  }
0x6e: {  	_ =	shalt  }
0x6f: {  	_ =	shalt  }
0x70: {  	_ =	shalt  }
0x71: {  	_ =	shalt  }
0x72: {  	_ =	shalt  }
0x73: {  	_ =	shalt  }
0x74: {  	_ =	shalt  }
0x75: {  	_ =	shalt  }
0x76: {  	_ =	shalt  }
0x77: {  	_ =	shalt  }
0x78: {  	_ =	shalt  }
0x79: {  	_ =	shalt  }
0x7a: {  	_ =	shalt  }
0x7b: {  	_ =	shalt  }
0x7c: {  	_ =	shalt  }
0x7d: {  	_ =	shalt  }
0x7e: {  	_ =	shalt  }
0x7f: {  	_ =	shalt  }
0x80: {  	_ =	shalt  }
0x81: {  	_ =	shalt  }
0x82: {  	_ =	shalt  }
0x83: {  	_ =	shalt  }
0x84: {  	_ =	shalt  }
0x85: {  	_ =	shalt  }
0x86: {  	_ =	shalt  }
0x87: {  	_ =	shalt  }
.Lfunc_end0:
.L_simem_size_0:
called_computation_lowered:
.L_overlay_start_0:
0x88: {  	s2 =	sld [smem:$0x3FD9]  }
0x89: {  	s3 =	sld [smem:$0x3FFE];
	_ =	sdelay $0x1  }
0x8a: {  	s1 =	srdreg.scid  }
0x8b: {  	s0 =	sand.u32 $0x1, s1  }
0x8c: {  	s17 =	sshll.u32 s0, $0xA;
	s2 =	sadd.s32 s3, s2  }
0x8d: {  	s2 =	sadd.s32 s2, s17  }
0x8e: {  	[smem:$0x3FC7] =	sst s2  }
0x8f: {  	_ = 	snop  }
0x90: {  	s2 =	sld [smem:$0x3FD0];
	(tm) =	ssettm $0x1  }
0x91: {  	s18 =	sld [smem:$0x3FFB];
	_ =	sdelay $0x3  }
0x92: {  	_ =	strace s18  }
0x93: {  	s3 =	sld [smem:$0x3FFC];
	_ =	sdelay $0x3  }
0x94: {  	_ =	strace s3  }
0x95: {  	s3 =	sld [smem:$0x3FFD];
	_ =	sdelay $0x3  }
0x96: {  	_ =	strace s3  }
0x97: {  	_ =	strace $0x8FFFFFFF  }
0x98: {  	s19 =	sld [smem:$0x3FDB];
	_ =	sdelay $0x1  }
0x99: {  	s4 =	simm.s32 $_scs_section_size  }
0x9a: {  	s5 =	simm.s32 $_size__tile_overlayer_lowered;
	s6 =	simm.s32 $_tile_overlayer_lowered  }
0x9b: {  	s22 =	simm.s32 $0x1BFF;
	s21 =	sshll.u32 s6, $0x1;
	s3 =	sadd.s32 s4, s19  }
0x9c: {  	s7 =	simm.s32 $0x0;
	s20 =	sshll.u32 s5, $0x1;
	s5 =	sadd.s32 s21, s3  }
0x9d: {  	[timem:s7], [sflag:s22] =	dma.local [hbm:s5], s20  }
0x9e: {  	_ =	swait.ge [sflag:s22], s20  }
0x9f: {  	s4 =	ssub.s32 $0x0, s20;
	[sflag:s22] =	ssyncset.done $0x0  }
0xa0: {  	[sflag:s22] =	ssyncadd.s32 s4;
	_ =	sdelay $0x1  }
0xa1: {  	s23 =	simm.s32 $0x1B8B  }
0xa2: {  	_ =	swait.ge [sflag:s23], $0x1  }
0xa3: {  	[sflag:s23] =	ssyncset.done $0x0  }
0xa4: {  	s25 =	simm.s32 $0x1B8E;
	s24 =	sld [smem:$0x3FFE];
	[sflag:s23] =	ssyncadd.s32 $0xFFFFFFFF  }
0xa5: {  	s26 =	simm.s32 $execute0_lowered;
	[smem:$0x3FD2] =	sst s25  }
0xa6: {  	s5 =	sshll.u32 s26, $0x1;
	_ =	strace $0x80000046;
	[dreg:$0x1] =	wrdreg $0xFFFFFFFF  }
0xa7: {  	s28 =	simm.s32 $_size_execute0_lowered;
	s3 =	sadd.s32 s3, s5;
	[dreg:$0x0] =	wrdreg $0x0  }
0xa8: {  	s5 =	sshll.u32 s28, $0x1;
	[dreg:$0x2] =	wrdreg s3  }
0xa9: {  	[dreg:$0x3] =	wrdreg s5  }
0xaa: {  	[dreg:$0x4] =	wrdreg $0xC0  }
0xab: {  	_ =	task [dreg:s7], $0x5FFFF  }
0xac: {  	[dreg:$0x1] =	wrdreg $0xFFFFFFFF  }
0xad: {  	[dreg:$0x0] =	wrdreg $0x60  }
0xae: {  	[dreg:$0x2] =	wrdreg s2  }
0xaf: {  	[dreg:$0x3] =	wrdreg s24  }
0xb0: {  	[dreg:$0x4] =	wrdreg $0x0  }
0xb1: {  	[dreg:$0x5] =	wrdreg $0x9  }
0xb2: {  	_ =	task.clear_ibuf [dreg:s7], $0x6FFFF;
	_ =	strace $0x90000046  }
0xb3: {  	s29 =	simm.s32 $0x9;
	_ =	strace $0x80000048  }
0xb4: {  	_ =	swait.ge [sflag:s29], $0x1  }
0xb5: {  	[sflag:s29] =	ssyncadd.s32 $0xFFFFFFFF  }
0xb6: {  	_ =	strace $0x90000048  }
0xb7: {  	_ =	sfence  }
0xb8: {  	s30 =	sld [smem:$0x0];
	_ =	sdelay $0x2  }
0xb9: {  	s31 =	sshll.u32 s1, $0xD;
	s1 =	sshrl.u32 s1, $0x2  }
0xba: {  	s3 =	sand.u32 $0x4000, s31;
	s1 =	sadd.s32 s1, s30  }
0xbb: {  	s0 =	sor.u32 s3, s0;
	s1 =	sshll.u32 s1, $0x11  }
0xbc: {  	s0 =	sor.u32 s1, s0  }
0xbd: {  	s0 =	sadd.s32 $0x8F2B, s0  }
0xbe: {  	[sflag:s0] =	ssyncadd.remote.s32 $0x1  }
0xbf: {  	_ =	sfence.sel $0xFFFF  }
0xc0: {  	[dreg:$0x0] =	wrdreg $0xFFFFFFFF;
	(pc) =	sbr.abs _section_cstart, $3  }
0xc1: {  	[dreg:$0x1] =	wrdreg $0xFFFFFFFF  }
0xc2: {  	_ =	task.clear_ibuf [dreg:s7], $0x2FFFF;
	_ =	strace $0x9FFFFFFF  }
0xc3: {  	(tm) =	ssettm $0x7FFFFFFF  }
tec
execute0_lowered:
.L_overlay_start_1:
0x0: {  	(tag) =	ssettag $0x1  }
0x1: {  	s1 =	rddreg [dreg:$0x0]  }
0x2: {  	s3 =	rddreg [dreg:$0x1]  }
0x3: {  	s14 =	rddreg [dreg:$0x2]  }
0x4: {  	s0 =	rddreg [dreg:$0x3]  }
0x5: {  	s4 =	srdreg.scid;
	s2 =	simm.s32 $0x0;
	s13 =	stileid.u32  }
0x6: {  	s10 =	sand.u32 $0x1, s4;
	[smem:$0x7FF] =	sst s2;
	s25 =	sshll.u32 s13, $0x7  }
0x7: {  	s11 =	sadd.s32 $0x400, s3;
	s22 =	sshll.u32 s13, $0x16;
	s24 =	sshll.u32 s13, $0x10  }
0x8: {  	p0 =	sne.s32 s13, $0x0;
	s31 =	sshll.u32 s13, $0x6;
	s5 =	sshll.u32 s10, $0x6  }
0x9: {  	_ =	strace $0x80000047;
	s26 =	ssub.s32 $0x2, s10;
	s28 =	sshll.u32 s10, $0x15  }
0xa: {  	s29 =	sshll.u32 s10, $0xF;
	s4 =	sor.u32 s5, s25;
	s6 =	sshrl.u32 s26, $0x1  }
0xb: {  	s24 =	sor.u32 s24, s29;
	s5 =	sshll.u32 s4, $0x7;
	s4 =	sshll.u32 s4, $0xF  }
0xc: {  	s15 =	ssub.s32 s26, s6;
	s30 =	sxor.u32 $0xFEE00, s24;
	s24 =	simm.s32 $0x1  }
0xd: {  	s12 =	ssub.s32 s14, s5;
	s3 =	sadd.s32 s11, s4;
	s11 =	sadd.s32 s22, s11  }
0xe: {  	s16 =	sadd.s32 $0x3FF80, s12;
	s4 =	sadd.s32 $0x8000, s3;
	s17 =	sadd.s32 $0x3FF00, s12  }
0xf: {  	s5 =	sadd.s32 $0x10000, s3;
	s18 =	sadd.s32 $0x3FE80, s12;
	s6 =	sadd.s32 $0x18000, s3  }
0x10: {  	s19 =	sadd.s32 $0x3FE00, s12;
	s7 =	sadd.s32 $0x20000, s3;
	s20 =	sadd.s32 $0x3FD80, s12  }
0x11: {  	s8 =	sadd.s32 $0x28000, s3;
	s21 =	sadd.s32 $0x3FD00, s12;
	s9 =	sadd.s32 $0x30000, s3  }
0x12: {  	s23 =	sadd.s32 $0x3FC80, s12;
	s22 =	sadd.s32 s28, s11;
	s10 =	sadd.s32 $0x38000, s3  }
0x13: {  	s25 =	sadd.s32 $0x3FC00, s12;
	s11 =	smax.u32 s15, $0x1;
	s15 =	sshrl.u32 s30, $0x2  }
0x14: {  	s12 =	sadd.s32 $0x40000, s22;
	s13 =	sadd.s32 s15, s14;
	s14 =	sshrl.u32 @!p0 s14, $0x3  }
0x15: {  	s15 =	sor.u32 $0x1C01, s31;
	s16 =	sshrl.u32 s16, $0x3;
	s17 =	sshrl.u32 s17, $0x3  }
0x16: {  	s18 =	sshrl.u32 s18, $0x3;
	s19 =	sshrl.u32 s19, $0x3;
	s20 =	sshrl.u32 s20, $0x3  }
0x17: {  	s21 =	sshrl.u32 s21, $0x3;
	s22 =	sshrl.u32 s23, $0x3;
	s23 =	sshrl.u32 s25, $0x3  }
.LBB2_1:
0x18: {  	s25 =	simm.s32 @!p0 $0x1C01  }
0x19: {  	[spmem:s14], [sflag:s25] =	dma.local @!p0 [hbm:s1], $0xFFF0  }
0x1a: {  	s25 =	simm.s32 @!p0 $0x1  }
0x1b: {  	_ =	swait.ge @!p0 [sflag:s25], $0xFFF0  }
0x1c: {  	[sflag:s25] =	ssyncset.done @!p0 $0x0  }
0x1d: {  	s31 =	sadd.s32 $0x0, s13;
	[sflag:s25] =	ssyncadd.s32 @!p0 $0xFFFF0010  }
0x1e: {  	s25 =	sshrl.u32 s31, $0x3;
	[bflag:$0x0] =	sbarrier.arrive $0xFFFF  }
0x1f: {  	[hbm:s3], [sflag:s15] =	dma.local [spmem:s16], $0x8000  }
0x20: {  	[hbm:s4], [sflag:s15] =	dma.local [spmem:s17], $0x8000  }
0x21: {  	[hbm:s5], [sflag:s15] =	dma.local [spmem:s18], $0x8000  }
0x22: {  	[hbm:s6], [sflag:s15] =	dma.local [spmem:s19], $0x8000  }
0x23: {  	[hbm:s7], [sflag:s15] =	dma.local [spmem:s20], $0x8000  }
0x24: {  	[hbm:s8], [sflag:s15] =	dma.local [spmem:s21], $0x8000  }
0x25: {  	[hbm:s9], [sflag:s15] =	dma.local [spmem:s22], $0x8000  }
0x26: {  	[hbm:s10], [sflag:s15] =	dma.local [spmem:s23], $0x8000  }
0x27: {  	[hbm:s12], [sflag:s15] =	dma.local [spmem:s25], $0x8000  }
0x28: {  	s26 =	smov.u32 s12;
	s25 =	simm.s32 $0xFFFFFE00;
	_ =	swait.ge [sflag:s24], $0x8000  }
.LBB2_2:
0x29: {  	s28 =	sshra.s32 s25, $0x2  }
0x2a: {  	[sflag:s24] =	ssyncset.done $0x0;
	s26 =	sadd.s32 $0x8000, s26;
	p1 =	sne.s32 s25, $0xFFFF9200  }
.Ltmp0:
0x2b: {  	s28 =	sadd.s32 s28, s13;
	[sflag:s24] =	ssyncadd.s32 $0xFFFF8000;
	(pc) =	sbr.rel @p1 .LBB2_2-.Ltmp0, $4  }
0x2c: {  	s25 =	sadd.s32 $0xFFFFFE00, s25;
	s28 =	sshrl.u32 s28, $0x3  }
0x2d: {  	[hbm:s26], [sflag:s15] =	dma.local [spmem:s28], $0x8000  }
0x2e: {  	_ = 	snop  }
0x2f: {  	_ =	swait.ge [sflag:s24], $0x8000  }
0x30: {  	[sflag:s24] =	ssyncset.done $0x0  }
0x31: {  	[sflag:s24] =	ssyncadd.s32 $0xFFFF8000  }
0x32: {  	_ =	swait.ge [sflag:s24], $0x8000  }
0x33: {  	[sflag:s24] =	ssyncset.done $0x0  }
0x34: {  	[sflag:s24] =	ssyncadd.s32 $0xFFFF8000  }
0x35: {  	_ =	swait.ge [sflag:s24], $0x8000  }
0x36: {  	[sflag:s24] =	ssyncset.done $0x0  }
0x37: {  	[sflag:s24] =	ssyncadd.s32 $0xFFFF8000  }
0x38: {  	_ =	swait.ge [sflag:s24], $0x8000  }
0x39: {  	[sflag:s24] =	ssyncset.done $0x0  }
0x3a: {  	[sflag:s24] =	ssyncadd.s32 $0xFFFF8000  }
0x3b: {  	_ =	swait.ge [sflag:s24], $0x8000  }
0x3c: {  	[sflag:s24] =	ssyncset.done $0x0  }
0x3d: {  	[sflag:s24] =	ssyncadd.s32 $0xFFFF8000  }
0x3e: {  	_ =	swait.ge [sflag:s24], $0x8000  }
0x3f: {  	[sflag:s24] =	ssyncset.done $0x0  }
0x40: {  	[sflag:s24] =	ssyncadd.s32 $0xFFFF8000  }
0x41: {  	_ =	swait.ge [sflag:s24], $0x8000  }
0x42: {  	[sflag:s24] =	ssyncset.done $0x0  }
0x43: {  	s2 =	sadd.s32 $0x1, s2;
	[sflag:s24] =	ssyncadd.s32 $0xFFFF8000  }
0x44: {  	p1 =	sne.s32 s2, s11;
	_ =	swait.ge [sflag:s24], $0x8000  }
.Ltmp1:
0x45: {  	[sflag:s24] =	ssyncset.done $0x0;
	(pc) =	sbr.rel @p1 .LBB2_1-.Ltmp1, $4  }
0x46: {  	[sflag:s24] =	ssyncadd.s32 $0xFFFF8000  }
0x47: {  	_ =	swait.ge [sflag:s24], $0x8000  }
0x48: {  	[sflag:s24] =	ssyncset.done $0x0  }
0x49: {  	[sflag:s24] =	ssyncadd.s32 $0xFFFF8000  }
0x4a: {  	_ =	sfence.sel $0x180000  }
0x4b: {  	[bflag:$0x0] =	sbarrier.arrive $0xFFFF  }
0x4c: {  	_ =	strace $0x90000047  }
0x4d: {  	s0 =	sadd.s32 @!p0 $0x100000, s0;
	[bflag:$0x2] =	sbarrier.arrive $0xFFFF  }
0x4e: {  	[sflag:s0] =	ssyncadd.tile.s32 @!p0 $0x1;
	_ =	shalt  }
.Lfunc_end2:
_tile_overlayer_lowered:
.L_overlay_start_2:
0x4f: {  	(tag) =	ssettag $0x2  }
0x50: {  	s0 =	rddreg [dreg:$0x0];
	s2 =	stileid.u32  }
0x51: {  	s1 =	rddreg [dreg:$0x1];
	p0 =	sne.s32 s2, $0x0  }
0x52: {  	s3 =	rddreg [dreg:$0x2];
	[bflag:$0x3] =	sbarrier.arrive $0xFFFF;
	s2 =	simm.s32 @!p0 $0x1C02  }
0x53: {  	[timem:s3], [sflag:s2] =	dma.local @!p0 [hbm:s0], s1  }
0x54: {  	s0 =	simm.s32 @!p0 $0x2  }
0x55: {  	_ =	swait.ge @!p0 [sflag:s0], s1  }
0x56: {  	s1 =	ssub.s32 @!p0 $0x0, s1;
	[sflag:s0] =	ssyncset.done @!p0 $0x0  }
0x57: {  	[sflag:s0] =	ssyncadd.s32 @!p0 s1  }
0x58: {  	[bflag:$0x3] =	sbarrier.arrive $0xFFFF  }
0x59: {  	_ =	shalt  }

</sc_bundles>
